<compile_context>
chip_gen: v7x
topology: tpu7x:2x2x1
jax: 0.10.2.dev20260603
libtpu: 0.0.44.dev20260713+nightly
codegen_flags: <defaults>
</compile_context>

<pallas_src>
import jax
import jax.numpy as jnp
from jax.experimental import pallas as pl
from jax.experimental.pallas import tpu as pltpu

K = 16
R = 256


def _rne_bf16(x):
    xi = jax.lax.bitcast_convert_type(x, jnp.int32)
    lsb = jnp.bitwise_and(jax.lax.shift_right_logical(xi, 16), 1)
    rounded = xi + 32767 + lsb
    return jax.lax.bitcast_convert_type(
        jnp.bitwise_and(rounded, jnp.int32(-65536)), jnp.float32)


def _knn_body(pb_ref, pall_ref, ra_ref, rb_ref, fall_ref, fblk_ref, out_ref):
    pb = pb_ref[0]
    P = pall_ref[0]
    rA = ra_ref[0]
    rB = rb_ref[0]
    F = fall_ref[0]
    c = fblk_ref[0]
    n = P.shape[0]

    m = jax.lax.dot_general(_rne_bf16(pb), _rne_bf16(P),
                            (((1,), (1,)), ((), ())),
                            preferred_element_type=jnp.float32)
    D = rA - 2.0 * m + rB

    iota_f = jax.lax.broadcasted_iota(jnp.int32, (R, n), 1).astype(jnp.float32)
    big = jnp.float32(n)
    neigh = []
    for t in range(K + 1):
        vmin = jnp.min(D, axis=1, keepdims=True)
        idx = jnp.min(jnp.where(D == vmin, iota_f, big), axis=1,
                      keepdims=True)
        if t > 0:
            neigh.append(idx)
        if t < K:
            D = jnp.where(iota_f == idx, jnp.inf, D)

    pieces = []
    for idx in neigh:
        oh = (iota_f == idx).astype(jnp.float32)
        g = jax.lax.dot_general(oh, F, (((1,), (0,)), ((), ())),
                                preferred_element_type=jnp.float32)
        pieces.append(c)
        pieces.append(g - c)
    out_ref[0] = jnp.concatenate(pieces, axis=1)


@jax.jit
def kernel(points, features):
    B, n, dp = points.shape
    _, _, df = features.shape
    rsq = jnp.sum(points * points, axis=2, keepdims=True)
    rsq_row = rsq.reshape(B, 1, n)
    grid = (B, n // R)
    out = pl.pallas_call(
        _knn_body,
        grid=grid,
        in_specs=[
            pl.BlockSpec((1, R, dp), lambda b, i: (b, i, 0)),
            pl.BlockSpec((1, n, dp), lambda b, i: (b, 0, 0)),
            pl.BlockSpec((1, R, 1), lambda b, i: (b, i, 0)),
            pl.BlockSpec((1, 1, n), lambda b, i: (b, 0, 0)),
            pl.BlockSpec((1, n, df), lambda b, i: (b, 0, 0)),
            pl.BlockSpec((1, R, df), lambda b, i: (b, i, 0)),
        ],
        out_specs=pl.BlockSpec((1, R, 2 * K * df), lambda b, i: (b, i, 0)),
        out_shape=jax.ShapeDtypeStruct((B, n, 2 * K * df), jnp.float32),
        compiler_params=pltpu.CompilerParams(
            dimension_semantics=("parallel", "arbitrary")),
    )(points, points, rsq, rsq_row, features, features)
    return out.reshape(B, n, K, 2 * df)

# --- scband reference (transcript-rebuilt; emitter-appended) ---
"""Pipeline reference for scband-knearest-neighbors-20340965114160 (READ-ONLY COPY).

The authoritative reference and input builder live on the scoring server;
editing this copy changes nothing except your own understanding.
"""

import jax, jax.numpy as jnp
import numpy as np

K = 16


def setup_inputs(seed: int = 0) -> dict:
    key = jax.random.key(seed)
    k1, k2 = jax.random.split(key)
    points = jax.random.normal(k1, (8, 2048, 16), dtype=jnp.float32)
    features = jax.random.normal(k2, (8, 2048, 64), dtype=jnp.float32)
    return {"points": points, "features": features}


def reference(points, features):
    # _batch_distance_matrix_general(points, points)
    r_A = jnp.sum(points * points, axis=2, keepdims=True)
    r_B = jnp.sum(points * points, axis=2, keepdims=True)
    m = jnp.matmul(points, jnp.transpose(points, (0, 2, 1)))
    D = r_A - 2.0 * m + jnp.transpose(r_B, (0, 2, 1))

    # top-k of -D (i.e., k+1 nearest, then drop self)
    _, top_k_indices = jax.lax.top_k(-D, K + 1)
    top_k_indices = top_k_indices[:, :, 1:]  # [B, N, K]

    b, n, d = features.shape
    batch_idx = jnp.arange(b)[:, None, None]  # [B,1,1]
    # gather_nd equivalent: features[batch, neighbor_idx] -> [B, N, K, d]
    knn_fts = features[batch_idx, top_k_indices]

    knn_fts_center = jnp.broadcast_to(features[:, :, None, :], (b, n, K, d))
    return jnp.concatenate([knn_fts_center, knn_fts - knn_fts_center], axis=-1)

if __name__ == "__main__":
    import jax
    _d = setup_inputs()
    print(jax.jit(kernel)(*tuple(_d.values())))

</pallas_src>

<mosaic_0001>
module attributes {stable_mosaic.version = 14 : i64} {
  func.func @_knn_body(%arg0: i32, %arg1: i32, %arg2: memref<1x256x16xf32, #tpu.memory_space<vmem>>, %arg3: memref<1x2048x16xf32, #tpu.memory_space<vmem>>, %arg4: memref<1x256x1xf32, #tpu.memory_space<vmem>>, %arg5: memref<1x1x2048xf32, #tpu.memory_space<vmem>>, %arg6: memref<1x2048x64xf32, #tpu.memory_space<vmem>>, %arg7: memref<1x256x64xf32, #tpu.memory_space<vmem>>, %arg8: memref<1x256x2048xf32, #tpu.memory_space<vmem>>) attributes {dimension_semantics = [#tpu.dimension_semantics<parallel>, #tpu.dimension_semantics<arbitrary>], iteration_bounds = array<i64: 8, 8>, scalar_prefetch = 0 : i64, scratch_operands = 0 : i64, tpu.core_type = #tpu.core_type<tc>, window_params = [{transform_indices = @transform_0, window_bounds = array<i64: 1, 256, 16>}, {transform_indices = @transform_1, window_bounds = array<i64: 1, 2048, 16>}, {transform_indices = @transform_2, window_bounds = array<i64: 1, 256, 1>}, {transform_indices = @transform_3, window_bounds = array<i64: 1, 1, 2048>}, {transform_indices = @transform_4, window_bounds = array<i64: 1, 2048, 64>}, {transform_indices = @transform_5, window_bounds = array<i64: 1, 256, 64>}, {transform_indices = @transform_6, window_bounds = array<i64: 1, 256, 2048>}]} {
    %get3A = arith.constant 0 : index
    %get3A_0 = arith.constant 0 : index
    %get3A_1 = arith.constant 0 : index
    %get3A_2 = vector.load %arg2[%get3A, %get3A_0, %get3A_1] : memref<1x256x16xf32, #tpu.memory_space<vmem>>, vector<1x256x16xf32>
    %get3A_3 = vector.shape_cast %get3A_2 : vector<1x256x16xf32> to vector<256x16xf32>
    %get3A_4 = arith.constant 0 : index
    %get3A_5 = arith.constant 0 : index
    %get3A_6 = arith.constant 0 : index
    %get3A_7 = vector.load %arg3[%get3A_4, %get3A_5, %get3A_6] : memref<1x2048x16xf32, #tpu.memory_space<vmem>>, vector<1x2048x16xf32>
    %get3A_8 = vector.shape_cast %get3A_7 : vector<1x2048x16xf32> to vector<2048x16xf32>
    %get3A_9 = arith.constant 0 : index
    %get3A_10 = arith.constant 0 : index
    %get3A_11 = arith.constant 0 : index
    %get3A_12 = vector.load %arg4[%get3A_9, %get3A_10, %get3A_11] : memref<1x256x1xf32, #tpu.memory_space<vmem>>, vector<1x256x1xf32>
    %get3A_13 = vector.shape_cast %get3A_12 : vector<1x256x1xf32> to vector<256x1xf32>
    %get3A_14 = arith.constant 0 : index
    %get3A_15 = arith.constant 0 : index
    %get3A_16 = arith.constant 0 : index
    %get3A_17 = vector.load %arg5[%get3A_14, %get3A_15, %get3A_16] : memref<1x1x2048xf32, #tpu.memory_space<vmem>>, vector<1x1x2048xf32>
    %get3A_18 = vector.shape_cast %get3A_17 : vector<1x1x2048xf32> to vector<1x2048xf32>
    %get3A_19 = arith.constant 0 : index
    %get3A_20 = arith.constant 0 : index
    %get3A_21 = arith.constant 0 : index
    %get3A_22 = vector.load %arg6[%get3A_19, %get3A_20, %get3A_21] : memref<1x2048x64xf32, #tpu.memory_space<vmem>>, vector<1x2048x64xf32>
    %get3A_23 = vector.shape_cast %get3A_22 : vector<1x2048x64xf32> to vector<2048x64xf32>
    %get3A_24 = arith.constant 0 : index
    %get3A_25 = arith.constant 0 : index
    %get3A_26 = arith.constant 0 : index
    %get3A_27 = vector.load %arg7[%get3A_24, %get3A_25, %get3A_26] : memref<1x256x64xf32, #tpu.memory_space<vmem>>, vector<1x256x64xf32>
    %get3A_28 = vector.shape_cast %get3A_27 : vector<1x256x64xf32> to vector<256x64xf32>
    %bitcast_convert_type3A = tpu.bitcast %get3A_3 : vector<256x16xf32> -> vector<256x16xi32>
    %shift_right_logical3A = arith.constant 16 : i32
    %shift_right_logical3A_29 = vector.broadcast %shift_right_logical3A : i32 to vector<256x16xi32>
    %shift_right_logical3A_30 = arith.shrui %bitcast_convert_type3A, %shift_right_logical3A_29 : vector<256x16xi32>
    %and3A = arith.constant 1 : i32
    %and3A_31 = vector.broadcast %and3A : i32 to vector<256x16xi32>
    %and3A_32 = arith.andi %shift_right_logical3A_30, %and3A_31 : vector<256x16xi32>
    %add3A = arith.constant 32767 : i32
    %add3A_33 = vector.broadcast %add3A : i32 to vector<256x16xi32>
    %add3A_34 = arith.addi %bitcast_convert_type3A, %add3A_33 : vector<256x16xi32>
    %add3A_35 = arith.addi %add3A_34, %and3A_32 : vector<256x16xi32>
    %and3A_36 = arith.constant -65536 : i32
    %and3A_37 = vector.broadcast %and3A_36 : i32 to vector<256x16xi32>
    %and3A_38 = arith.andi %add3A_35, %and3A_37 : vector<256x16xi32>
    %bitcast_convert_type3A_39 = tpu.bitcast %and3A_38 : vector<256x16xi32> -> vector<256x16xf32>
    %bitcast_convert_type3A_40 = tpu.bitcast %get3A_8 : vector<2048x16xf32> -> vector<2048x16xi32>
    %shift_right_logical3A_41 = arith.constant 16 : i32
    %shift_right_logical3A_42 = vector.broadcast %shift_right_logical3A_41 : i32 to vector<2048x16xi32>
    %shift_right_logical3A_43 = arith.shrui %bitcast_convert_type3A_40, %shift_right_logical3A_42 : vector<2048x16xi32>
    %and3A_44 = arith.constant 1 : i32
    %and3A_45 = vector.broadcast %and3A_44 : i32 to vector<2048x16xi32>
    %and3A_46 = arith.andi %shift_right_logical3A_43, %and3A_45 : vector<2048x16xi32>
    %add3A_47 = arith.constant 32767 : i32
    %add3A_48 = vector.broadcast %add3A_47 : i32 to vector<2048x16xi32>
    %add3A_49 = arith.addi %bitcast_convert_type3A_40, %add3A_48 : vector<2048x16xi32>
    %add3A_50 = arith.addi %add3A_49, %and3A_46 : vector<2048x16xi32>
    %and3A_51 = arith.constant -65536 : i32
    %and3A_52 = vector.broadcast %and3A_51 : i32 to vector<2048x16xi32>
    %and3A_53 = arith.andi %add3A_50, %and3A_52 : vector<2048x16xi32>
    %bitcast_convert_type3A_54 = tpu.bitcast %and3A_53 : vector<2048x16xi32> -> vector<2048x16xf32>
    %dot_general3A = arith.constant dense<0.000000e+00> : vector<256x2048xf32>
    %dot_general3A_55 = tpu.matmul %bitcast_convert_type3A_39, %bitcast_convert_type3A_54, %dot_general3A {dimension_numbers = #tpu.dot_dimension_numbers<[1], [1], [0], [0], [0, 0, 1, 0], [], []>, transpose_lhs_hint = false} : vector<256x16xf32>, vector<2048x16xf32>, vector<256x2048xf32> -> vector<256x2048xf32>
    %mul3A = arith.constant 2.000000e+00 : f32
    %mul3A_56 = vector.broadcast %mul3A : f32 to vector<256x2048xf32>
    %mul3A_57 = arith.mulf %mul3A_56, %dot_general3A_55 : vector<256x2048xf32>
    %sub3A = vector.broadcast %get3A_13 : vector<256x1xf32> to vector<256x2048xf32>
    %sub3A_58 = arith.subf %sub3A, %mul3A_57 : vector<256x2048xf32>
    %add3A_59 = vector.broadcast %get3A_18 : vector<1x2048xf32> to vector<256x2048xf32>
    %add3A_60 = arith.addf %sub3A_58, %add3A_59 : vector<256x2048xf32>
    %iota3A = tpu.iota {dimensions = array<i32: 1>} : vector<256x2048xi32>
    %convert_element_type3A = arith.sitofp %iota3A : vector<256x2048xi32> to vector<256x2048xf32>
    %reduce_min3A = arith.constant dense<0x7F800000> : vector<256xf32>
    %reduce_min3A_61 = vector.multi_reduction <minimumf>, %add3A_60, %reduce_min3A [1] : vector<256x2048xf32> to vector<256xf32>
    %broadcast_in_dim3A = vector.shape_cast %reduce_min3A_61 : vector<256xf32> to vector<256x1xf32>
    %eq3A = vector.broadcast %broadcast_in_dim3A : vector<256x1xf32> to vector<256x2048xf32>
    %eq3A_62 = arith.cmpf oeq, %add3A_60, %eq3A : vector<256x2048xf32>
    %jit3A = arith.constant 2.048000e+03 : f32
    %broadcast_in_dim3A_63 = vector.broadcast %jit3A : f32 to vector<256x2048xf32>
    %select_n3A = arith.select %eq3A_62, %convert_element_type3A, %broadcast_in_dim3A_63 : vector<256x2048xi1>, vector<256x2048xf32>
    %reduce_min3A_64 = arith.constant dense<0x7F800000> : vector<256xf32>
    %reduce_min3A_65 = vector.multi_reduction <minimumf>, %select_n3A, %reduce_min3A_64 [1] : vector<256x2048xf32> to vector<256xf32>
    %broadcast_in_dim3A_66 = vector.shape_cast %reduce_min3A_65 : vector<256xf32> to vector<256x1xf32>
    %eq3A_67 = vector.broadcast %broadcast_in_dim3A_66 : vector<256x1xf32> to vector<256x2048xf32>
    %eq3A_68 = arith.cmpf oeq, %convert_element_type3A, %eq3A_67 : vector<256x2048xf32>
    %jit3A_69 = arith.constant 0x7F800000 : f32
    %broadcast_in_dim3A_70 = vector.broadcast %jit3A_69 : f32 to vector<256x2048xf32>
    %select_n3A_71 = arith.select %eq3A_68, %broadcast_in_dim3A_70, %add3A_60 : vector<256x2048xi1>, vector<256x2048xf32>
    %reduce_min3A_72 = arith.constant dense<0x7F800000> : vector<256xf32>
    %reduce_min3A_73 = vector.multi_reduction <minimumf>, %select_n3A_71, %reduce_min3A_72 [1] : vector<256x2048xf32> to vector<256xf32>
    %broadcast_in_dim3A_74 = vector.shape_cast %reduce_min3A_73 : vector<256xf32> to vector<256x1xf32>
    %eq3A_75 = vector.broadcast %broadcast_in_dim3A_74 : vector<256x1xf32> to vector<256x2048xf32>
    %eq3A_76 = arith.cmpf oeq, %select_n3A_71, %eq3A_75 : vector<256x2048xf32>
    %jit3A_77 = arith.constant 2.048000e+03 : f32
    %broadcast_in_dim3A_78 = vector.broadcast %jit3A_77 : f32 to vector<256x2048xf32>
    %select_n3A_79 = arith.select %eq3A_76, %convert_element_type3A, %broadcast_in_dim3A_78 : vector<256x2048xi1>, vector<256x2048xf32>
    %reduce_min3A_80 = arith.constant dense<0x7F800000> : vector<256xf32>
    %reduce_min3A_81 = vector.multi_reduction <minimumf>, %select_n3A_79, %reduce_min3A_80 [1] : vector<256x2048xf32> to vector<256xf32>
    %broadcast_in_dim3A_82 = vector.shape_cast %reduce_min3A_81 : vector<256xf32> to vector<256x1xf32>
    %eq3A_83 = vector.broadcast %broadcast_in_dim3A_82 : vector<256x1xf32> to vector<256x2048xf32>
    %eq3A_84 = arith.cmpf oeq, %convert_element_type3A, %eq3A_83 : vector<256x2048xf32>
    %jit3A_85 = arith.constant 0x7F800000 : f32
    %broadcast_in_dim3A_86 = vector.broadcast %jit3A_85 : f32 to vector<256x2048xf32>
    %select_n3A_87 = arith.select %eq3A_84, %broadcast_in_dim3A_86, %select_n3A_71 : vector<256x2048xi1>, vector<256x2048xf32>
    %reduce_min3A_88 = arith.constant dense<0x7F800000> : vector<256xf32>
    %reduce_min3A_89 = vector.multi_reduction <minimumf>, %select_n3A_87, %reduce_min3A_88 [1] : vector<256x2048xf32> to vector<256xf32>
    %broadcast_in_dim3A_90 = vector.shape_cast %reduce_min3A_89 : vector<256xf32> to vector<256x1xf32>
    %eq3A_91 = vector.broadcast %broadcast_in_dim3A_90 : vector<256x1xf32> to vector<256x2048xf32>
    %eq3A_92 = arith.cmpf oeq, %select_n3A_87, %eq3A_91 : vector<256x2048xf32>
    %jit3A_93 = arith.constant 2.048000e+03 : f32
    %broadcast_in_dim3A_94 = vector.broadcast %jit3A_93 : f32 to vector<256x2048xf32>
    %select_n3A_95 = arith.select %eq3A_92, %convert_element_type3A, %broadcast_in_dim3A_94 : vector<256x2048xi1>, vector<256x2048xf32>
    %reduce_min3A_96 = arith.constant dense<0x7F800000> : vector<256xf32>
    %reduce_min3A_97 = vector.multi_reduction <minimumf>, %select_n3A_95, %reduce_min3A_96 [1] : vector<256x2048xf32> to vector<256xf32>
    %broadcast_in_dim3A_98 = vector.shape_cast %reduce_min3A_97 : vector<256xf32> to vector<256x1xf32>
    %eq3A_99 = vector.broadcast %broadcast_in_dim3A_98 : vector<256x1xf32> to vector<256x2048xf32>
    %eq3A_100 = arith.cmpf oeq, %convert_element_type3A, %eq3A_99 : vector<256x2048xf32>
    %jit3A_101 = arith.constant 0x7F800000 : f32
    %broadcast_in_dim3A_102 = vector.broadcast %jit3A_101 : f32 to vector<256x2048xf32>
    %select_n3A_103 = arith.select %eq3A_100, %broadcast_in_dim3A_102, %select_n3A_87 : vector<256x2048xi1>, vector<256x2048xf32>
    %reduce_min3A_104 = arith.constant dense<0x7F800000> : vector<256xf32>
    %reduce_min3A_105 = vector.multi_reduction <minimumf>, %select_n3A_103, %reduce_min3A_104 [1] : vector<256x2048xf32> to vector<256xf32>
    %broadcast_in_dim3A_106 = vector.shape_cast %reduce_min3A_105 : vector<256xf32> to vector<256x1xf32>
    %eq3A_107 = vector.broadcast %broadcast_in_dim3A_106 : vector<256x1xf32> to vector<256x2048xf32>
    %eq3A_108 = arith.cmpf oeq, %select_n3A_103, %eq3A_107 : vector<256x2048xf32>
    %jit3A_109 = arith.constant 2.048000e+03 : f32
    %broadcast_in_dim3A_110 = vector.broadcast %jit3A_109 : f32 to vector<256x2048xf32>
    %select_n3A_111 = arith.select %eq3A_108, %convert_element_type3A, %broadcast_in_dim3A_110 : vector<256x2048xi1>, vector<256x2048xf32>
    %reduce_min3A_112 = arith.constant dense<0x7F800000> : vector<256xf32>
    %reduce_min3A_113 = vector.multi_reduction <minimumf>, %select_n3A_111, %reduce_min3A_112 [1] : vector<256x2048xf32> to vector<256xf32>
    %broadcast_in_dim3A_114 = vector.shape_cast %reduce_min3A_113 : vector<256xf32> to vector<256x1xf32>
    %eq3A_115 = vector.broadcast %broadcast_in_dim3A_114 : vector<256x1xf32> to vector<256x2048xf32>
    %eq3A_116 = arith.cmpf oeq, %convert_element_type3A, %eq3A_115 : vector<256x2048xf32>
    %jit3A_117 = arith.constant 0x7F800000 : f32
    %broadcast_in_dim3A_118 = vector.broadcast %jit3A_117 : f32 to vector<256x2048xf32>
    %select_n3A_119 = arith.select %eq3A_116, %broadcast_in_dim3A_118, %select_n3A_103 : vector<256x2048xi1>, vector<256x2048xf32>
    %reduce_min3A_120 = arith.constant dense<0x7F800000> : vector<256xf32>
    %reduce_min3A_121 = vector.multi_reduction <minimumf>, %select_n3A_119, %reduce_min3A_120 [1] : vector<256x2048xf32> to vector<256xf32>
    %broadcast_in_dim3A_122 = vector.shape_cast %reduce_min3A_121 : vector<256xf32> to vector<256x1xf32>
    %eq3A_123 = vector.broadcast %broadcast_in_dim3A_122 : vector<256x1xf32> to vector<256x2048xf32>
    %eq3A_124 = arith.cmpf oeq, %select_n3A_119, %eq3A_123 : vector<256x2048xf32>
    %jit3A_125 = arith.constant 2.048000e+03 : f32
    %broadcast_in_dim3A_126 = vector.broadcast %jit3A_125 : f32 to vector<256x2048xf32>
    %select_n3A_127 = arith.select %eq3A_124, %convert_element_type3A, %broadcast_in_dim3A_126 : vector<256x2048xi1>, vector<256x2048xf32>
    %reduce_min3A_128 = arith.constant dense<0x7F800000> : vector<256xf32>
    %reduce_min3A_129 = vector.multi_reduction <minimumf>, %select_n3A_127, %reduce_min3A_128 [1] : vector<256x2048xf32> to vector<256xf32>
    %broadcast_in_dim3A_130 = vector.shape_cast %reduce_min3A_129 : vector<256xf32> to vector<256x1xf32>
    %eq3A_131 = vector.broadcast %broadcast_in_dim3A_130 : vector<256x1xf32> to vector<256x2048xf32>
    %eq3A_132 = arith.cmpf oeq, %convert_element_type3A, %eq3A_131 : vector<256x2048xf32>
    %jit3A_133 = arith.constant 0x7F800000 : f32
    %broadcast_in_dim3A_134 = vector.broadcast %jit3A_133 : f32 to vector<256x2048xf32>
    %select_n3A_135 = arith.select %eq3A_132, %broadcast_in_dim3A_134, %select_n3A_119 : vector<256x2048xi1>, vector<256x2048xf32>
    %reduce_min3A_136 = arith.constant dense<0x7F800000> : vector<256xf32>
    %reduce_min3A_137 = vector.multi_reduction <minimumf>, %select_n3A_135, %reduce_min3A_136 [1] : vector<256x2048xf32> to vector<256xf32>
    %broadcast_in_dim3A_138 = vector.shape_cast %reduce_min3A_137 : vector<256xf32> to vector<256x1xf32>
    %eq3A_139 = vector.broadcast %broadcast_in_dim3A_138 : vector<256x1xf32> to vector<256x2048xf32>
    %eq3A_140 = arith.cmpf oeq, %select_n3A_135, %eq3A_139 : vector<256x2048xf32>
    %jit3A_141 = arith.constant 2.048000e+03 : f32
    %broadcast_in_dim3A_142 = vector.broadcast %jit3A_141 : f32 to vector<256x2048xf32>
    %select_n3A_143 = arith.select %eq3A_140, %convert_element_type3A, %broadcast_in_dim3A_142 : vector<256x2048xi1>, vector<256x2048xf32>
    %reduce_min3A_144 = arith.constant dense<0x7F800000> : vector<256xf32>
    %reduce_min3A_145 = vector.multi_reduction <minimumf>, %select_n3A_143, %reduce_min3A_144 [1] : vector<256x2048xf32> to vector<256xf32>
    %broadcast_in_dim3A_146 = vector.shape_cast %reduce_min3A_145 : vector<256xf32> to vector<256x1xf32>
    %eq3A_147 = vector.broadcast %broadcast_in_dim3A_146 : vector<256x1xf32> to vector<256x2048xf32>
    %eq3A_148 = arith.cmpf oeq, %convert_element_type3A, %eq3A_147 : vector<256x2048xf32>
    %jit3A_149 = arith.constant 0x7F800000 : f32
    %broadcast_in_dim3A_150 = vector.broadcast %jit3A_149 : f32 to vector<256x2048xf32>
    %select_n3A_151 = arith.select %eq3A_148, %broadcast_in_dim3A_150, %select_n3A_135 : vector<256x2048xi1>, vector<256x2048xf32>
    %reduce_min3A_152 = arith.constant dense<0x7F800000> : vector<256xf32>
    %reduce_min3A_153 = vector.multi_reduction <minimumf>, %select_n3A_151, %reduce_min3A_152 [1] : vector<256x2048xf32> to vector<256xf32>
    %broadcast_in_dim3A_154 = vector.shape_cast %reduce_min3A_153 : vector<256xf32> to vector<256x1xf32>
    %eq3A_155 = vector.broadcast %broadcast_in_dim3A_154 : vector<256x1xf32> to vector<256x2048xf32>
    %eq3A_156 = arith.cmpf oeq, %select_n3A_151, %eq3A_155 : vector<256x2048xf32>
    %jit3A_157 = arith.constant 2.048000e+03 : f32
    %broadcast_in_dim3A_158 = vector.broadcast %jit3A_157 : f32 to vector<256x2048xf32>
    %select_n3A_159 = arith.select %eq3A_156, %convert_element_type3A, %broadcast_in_dim3A_158 : vector<256x2048xi1>, vector<256x2048xf32>
    %reduce_min3A_160 = arith.constant dense<0x7F800000> : vector<256xf32>
    %reduce_min3A_161 = vector.multi_reduction <minimumf>, %select_n3A_159, %reduce_min3A_160 [1] : vector<256x2048xf32> to vector<256xf32>
    %broadcast_in_dim3A_162 = vector.shape_cast %reduce_min3A_161 : vector<256xf32> to vector<256x1xf32>
    %eq3A_163 = vector.broadcast %broadcast_in_dim3A_162 : vector<256x1xf32> to vector<256x2048xf32>
    %eq3A_164 = arith.cmpf oeq, %convert_element_type3A, %eq3A_163 : vector<256x2048xf32>
    %jit3A_165 = arith.constant 0x7F800000 : f32
    %broadcast_in_dim3A_166 = vector.broadcast %jit3A_165 : f32 to vector<256x2048xf32>
    %select_n3A_167 = arith.select %eq3A_164, %broadcast_in_dim3A_166, %select_n3A_151 : vector<256x2048xi1>, vector<256x2048xf32>
    %reduce_min3A_168 = arith.constant dense<0x7F800000> : vector<256xf32>
    %reduce_min3A_169 = vector.multi_reduction <minimumf>, %select_n3A_167, %reduce_min3A_168 [1] : vector<256x2048xf32> to vector<256xf32>
    %broadcast_in_dim3A_170 = vector.shape_cast %reduce_min3A_169 : vector<256xf32> to vector<256x1xf32>
    %eq3A_171 = vector.broadcast %broadcast_in_dim3A_170 : vector<256x1xf32> to vector<256x2048xf32>
    %eq3A_172 = arith.cmpf oeq, %select_n3A_167, %eq3A_171 : vector<256x2048xf32>
    %jit3A_173 = arith.constant 2.048000e+03 : f32
    %broadcast_in_dim3A_174 = vector.broadcast %jit3A_173 : f32 to vector<256x2048xf32>
    %select_n3A_175 = arith.select %eq3A_172, %convert_element_type3A, %broadcast_in_dim3A_174 : vector<256x2048xi1>, vector<256x2048xf32>
    %reduce_min3A_176 = arith.constant dense<0x7F800000> : vector<256xf32>
    %reduce_min3A_177 = vector.multi_reduction <minimumf>, %select_n3A_175, %reduce_min3A_176 [1] : vector<256x2048xf32> to vector<256xf32>
    %broadcast_in_dim3A_178 = vector.shape_cast %reduce_min3A_177 : vector<256xf32> to vector<256x1xf32>
    %eq3A_179 = vector.broadcast %broadcast_in_dim3A_178 : vector<256x1xf32> to vector<256x2048xf32>
    %eq3A_180 = arith.cmpf oeq, %convert_element_type3A, %eq3A_179 : vector<256x2048xf32>
    %jit3A_181 = arith.constant 0x7F800000 : f32
    %broadcast_in_dim3A_182 = vector.broadcast %jit3A_181 : f32 to vector<256x2048xf32>
    %select_n3A_183 = arith.select %eq3A_180, %broadcast_in_dim3A_182, %select_n3A_167 : vector<256x2048xi1>, vector<256x2048xf32>
    %reduce_min3A_184 = arith.constant dense<0x7F800000> : vector<256xf32>
    %reduce_min3A_185 = vector.multi_reduction <minimumf>, %select_n3A_183, %reduce_min3A_184 [1] : vector<256x2048xf32> to vector<256xf32>
    %broadcast_in_dim3A_186 = vector.shape_cast %reduce_min3A_185 : vector<256xf32> to vector<256x1xf32>
    %eq3A_187 = vector.broadcast %broadcast_in_dim3A_186 : vector<256x1xf32> to vector<256x2048xf32>
    %eq3A_188 = arith.cmpf oeq, %select_n3A_183, %eq3A_187 : vector<256x2048xf32>
    %jit3A_189 = arith.constant 2.048000e+03 : f32
    %broadcast_in_dim3A_190 = vector.broadcast %jit3A_189 : f32 to vector<256x2048xf32>
    %select_n3A_191 = arith.select %eq3A_188, %convert_element_type3A, %broadcast_in_dim3A_190 : vector<256x2048xi1>, vector<256x2048xf32>
    %reduce_min3A_192 = arith.constant dense<0x7F800000> : vector<256xf32>
    %reduce_min3A_193 = vector.multi_reduction <minimumf>, %select_n3A_191, %reduce_min3A_192 [1] : vector<256x2048xf32> to vector<256xf32>
    %broadcast_in_dim3A_194 = vector.shape_cast %reduce_min3A_193 : vector<256xf32> to vector<256x1xf32>
    %eq3A_195 = vector.broadcast %broadcast_in_dim3A_194 : vector<256x1xf32> to vector<256x2048xf32>
    %eq3A_196 = arith.cmpf oeq, %convert_element_type3A, %eq3A_195 : vector<256x2048xf32>
    %jit3A_197 = arith.constant 0x7F800000 : f32
    %broadcast_in_dim3A_198 = vector.broadcast %jit3A_197 : f32 to vector<256x2048xf32>
    %select_n3A_199 = arith.select %eq3A_196, %broadcast_in_dim3A_198, %select_n3A_183 : vector<256x2048xi1>, vector<256x2048xf32>
    %reduce_min3A_200 = arith.constant dense<0x7F800000> : vector<256xf32>
    %reduce_min3A_201 = vector.multi_reduction <minimumf>, %select_n3A_199, %reduce_min3A_200 [1] : vector<256x2048xf32> to vector<256xf32>
    %broadcast_in_dim3A_202 = vector.shape_cast %reduce_min3A_201 : vector<256xf32> to vector<256x1xf32>
    %eq3A_203 = vector.broadcast %broadcast_in_dim3A_202 : vector<256x1xf32> to vector<256x2048xf32>
    %eq3A_204 = arith.cmpf oeq, %select_n3A_199, %eq3A_203 : vector<256x2048xf32>
    %jit3A_205 = arith.constant 2.048000e+03 : f32
    %broadcast_in_dim3A_206 = vector.broadcast %jit3A_205 : f32 to vector<256x2048xf32>
    %select_n3A_207 = arith.select %eq3A_204, %convert_element_type3A, %broadcast_in_dim3A_206 : vector<256x2048xi1>, vector<256x2048xf32>
    %reduce_min3A_208 = arith.constant dense<0x7F800000> : vector<256xf32>
    %reduce_min3A_209 = vector.multi_reduction <minimumf>, %select_n3A_207, %reduce_min3A_208 [1] : vector<256x2048xf32> to vector<256xf32>
    %broadcast_in_dim3A_210 = vector.shape_cast %reduce_min3A_209 : vector<256xf32> to vector<256x1xf32>
    %eq3A_211 = vector.broadcast %broadcast_in_dim3A_210 : vector<256x1xf32> to vector<256x2048xf32>
    %eq3A_212 = arith.cmpf oeq, %convert_element_type3A, %eq3A_211 : vector<256x2048xf32>
    %jit3A_213 = arith.constant 0x7F800000 : f32
    %broadcast_in_dim3A_214 = vector.broadcast %jit3A_213 : f32 to vector<256x2048xf32>
    %select_n3A_215 = arith.select %eq3A_212, %broadcast_in_dim3A_214, %select_n3A_199 : vector<256x2048xi1>, vector<256x2048xf32>
    %reduce_min3A_216 = arith.constant dense<0x7F800000> : vector<256xf32>
    %reduce_min3A_217 = vector.multi_reduction <minimumf>, %select_n3A_215, %reduce_min3A_216 [1] : vector<256x2048xf32> to vector<256xf32>
    %broadcast_in_dim3A_218 = vector.shape_cast %reduce_min3A_217 : vector<256xf32> to vector<256x1xf32>
    %eq3A_219 = vector.broadcast %broadcast_in_dim3A_218 : vector<256x1xf32> to vector<256x2048xf32>
    %eq3A_220 = arith.cmpf oeq, %select_n3A_215, %eq3A_219 : vector<256x2048xf32>
    %jit3A_221 = arith.constant 2.048000e+03 : f32
    %broadcast_in_dim3A_222 = vector.broadcast %jit3A_221 : f32 to vector<256x2048xf32>
    %select_n3A_223 = arith.select %eq3A_220, %convert_element_type3A, %broadcast_in_dim3A_222 : vector<256x2048xi1>, vector<256x2048xf32>
    %reduce_min3A_224 = arith.constant dense<0x7F800000> : vector<256xf32>
    %reduce_min3A_225 = vector.multi_reduction <minimumf>, %select_n3A_223, %reduce_min3A_224 [1] : vector<256x2048xf32> to vector<256xf32>
    %broadcast_in_dim3A_226 = vector.shape_cast %reduce_min3A_225 : vector<256xf32> to vector<256x1xf32>
    %eq3A_227 = vector.broadcast %broadcast_in_dim3A_226 : vector<256x1xf32> to vector<256x2048xf32>
    %eq3A_228 = arith.cmpf oeq, %convert_element_type3A, %eq3A_227 : vector<256x2048xf32>
    %jit3A_229 = arith.constant 0x7F800000 : f32
    %broadcast_in_dim3A_230 = vector.broadcast %jit3A_229 : f32 to vector<256x2048xf32>
    %select_n3A_231 = arith.select %eq3A_228, %broadcast_in_dim3A_230, %select_n3A_215 : vector<256x2048xi1>, vector<256x2048xf32>
    %reduce_min3A_232 = arith.constant dense<0x7F800000> : vector<256xf32>
    %reduce_min3A_233 = vector.multi_reduction <minimumf>, %select_n3A_231, %reduce_min3A_232 [1] : vector<256x2048xf32> to vector<256xf32>
    %broadcast_in_dim3A_234 = vector.shape_cast %reduce_min3A_233 : vector<256xf32> to vector<256x1xf32>
    %eq3A_235 = vector.broadcast %broadcast_in_dim3A_234 : vector<256x1xf32> to vector<256x2048xf32>
    %eq3A_236 = arith.cmpf oeq, %select_n3A_231, %eq3A_235 : vector<256x2048xf32>
    %jit3A_237 = arith.constant 2.048000e+03 : f32
    %broadcast_in_dim3A_238 = vector.broadcast %jit3A_237 : f32 to vector<256x2048xf32>
    %select_n3A_239 = arith.select %eq3A_236, %convert_element_type3A, %broadcast_in_dim3A_238 : vector<256x2048xi1>, vector<256x2048xf32>
    %reduce_min3A_240 = arith.constant dense<0x7F800000> : vector<256xf32>
    %reduce_min3A_241 = vector.multi_reduction <minimumf>, %select_n3A_239, %reduce_min3A_240 [1] : vector<256x2048xf32> to vector<256xf32>
    %broadcast_in_dim3A_242 = vector.shape_cast %reduce_min3A_241 : vector<256xf32> to vector<256x1xf32>
    %eq3A_243 = vector.broadcast %broadcast_in_dim3A_242 : vector<256x1xf32> to vector<256x2048xf32>
    %eq3A_244 = arith.cmpf oeq, %convert_element_type3A, %eq3A_243 : vector<256x2048xf32>
    %jit3A_245 = arith.constant 0x7F800000 : f32
    %broadcast_in_dim3A_246 = vector.broadcast %jit3A_245 : f32 to vector<256x2048xf32>
    %select_n3A_247 = arith.select %eq3A_244, %broadcast_in_dim3A_246, %select_n3A_231 : vector<256x2048xi1>, vector<256x2048xf32>
    %reduce_min3A_248 = arith.constant dense<0x7F800000> : vector<256xf32>
    %reduce_min3A_249 = vector.multi_reduction <minimumf>, %select_n3A_247, %reduce_min3A_248 [1] : vector<256x2048xf32> to vector<256xf32>
    %broadcast_in_dim3A_250 = vector.shape_cast %reduce_min3A_249 : vector<256xf32> to vector<256x1xf32>
    %eq3A_251 = vector.broadcast %broadcast_in_dim3A_250 : vector<256x1xf32> to vector<256x2048xf32>
    %eq3A_252 = arith.cmpf oeq, %select_n3A_247, %eq3A_251 : vector<256x2048xf32>
    %jit3A_253 = arith.constant 2.048000e+03 : f32
    %broadcast_in_dim3A_254 = vector.broadcast %jit3A_253 : f32 to vector<256x2048xf32>
    %select_n3A_255 = arith.select %eq3A_252, %convert_element_type3A, %broadcast_in_dim3A_254 : vector<256x2048xi1>, vector<256x2048xf32>
    %reduce_min3A_256 = arith.constant dense<0x7F800000> : vector<256xf32>
    %reduce_min3A_257 = vector.multi_reduction <minimumf>, %select_n3A_255, %reduce_min3A_256 [1] : vector<256x2048xf32> to vector<256xf32>
    %broadcast_in_dim3A_258 = vector.shape_cast %reduce_min3A_257 : vector<256xf32> to vector<256x1xf32>
    %eq3A_259 = vector.broadcast %broadcast_in_dim3A_258 : vector<256x1xf32> to vector<256x2048xf32>
    %eq3A_260 = arith.cmpf oeq, %convert_element_type3A, %eq3A_259 : vector<256x2048xf32>
    %jit3A_261 = arith.constant 0x7F800000 : f32
    %broadcast_in_dim3A_262 = vector.broadcast %jit3A_261 : f32 to vector<256x2048xf32>
    %select_n3A_263 = arith.select %eq3A_260, %broadcast_in_dim3A_262, %select_n3A_247 : vector<256x2048xi1>, vector<256x2048xf32>
    %reduce_min3A_264 = arith.constant dense<0x7F800000> : vector<256xf32>
    %reduce_min3A_265 = vector.multi_reduction <minimumf>, %select_n3A_263, %reduce_min3A_264 [1] : vector<256x2048xf32> to vector<256xf32>
    %broadcast_in_dim3A_266 = vector.shape_cast %reduce_min3A_265 : vector<256xf32> to vector<256x1xf32>
    %eq3A_267 = vector.broadcast %broadcast_in_dim3A_266 : vector<256x1xf32> to vector<256x2048xf32>
    %eq3A_268 = arith.cmpf oeq, %select_n3A_263, %eq3A_267 : vector<256x2048xf32>
    %jit3A_269 = arith.constant 2.048000e+03 : f32
    %broadcast_in_dim3A_270 = vector.broadcast %jit3A_269 : f32 to vector<256x2048xf32>
    %select_n3A_271 = arith.select %eq3A_268, %convert_element_type3A, %broadcast_in_dim3A_270 : vector<256x2048xi1>, vector<256x2048xf32>
    %reduce_min3A_272 = arith.constant dense<0x7F800000> : vector<256xf32>
    %reduce_min3A_273 = vector.multi_reduction <minimumf>, %select_n3A_271, %reduce_min3A_272 [1] : vector<256x2048xf32> to vector<256xf32>
    %broadcast_in_dim3A_274 = vector.shape_cast %reduce_min3A_273 : vector<256xf32> to vector<256x1xf32>
    %eq3A_275 = vector.broadcast %broadcast_in_dim3A_274 : vector<256x1xf32> to vector<256x2048xf32>
    %eq3A_276 = arith.cmpf oeq, %convert_element_type3A, %eq3A_275 : vector<256x2048xf32>
    %jit3A_277 = arith.constant 0x7F800000 : f32
    %broadcast_in_dim3A_278 = vector.broadcast %jit3A_277 : f32 to vector<256x2048xf32>
    %select_n3A_279 = arith.select %eq3A_276, %broadcast_in_dim3A_278, %select_n3A_263 : vector<256x2048xi1>, vector<256x2048xf32>
    %reduce_min3A_280 = arith.constant dense<0x7F800000> : vector<256xf32>
    %reduce_min3A_281 = vector.multi_reduction <minimumf>, %select_n3A_279, %reduce_min3A_280 [1] : vector<256x2048xf32> to vector<256xf32>
    %broadcast_in_dim3A_282 = vector.shape_cast %reduce_min3A_281 : vector<256xf32> to vector<256x1xf32>
    %eq3A_283 = vector.broadcast %broadcast_in_dim3A_282 : vector<256x1xf32> to vector<256x2048xf32>
    %eq3A_284 = arith.cmpf oeq, %select_n3A_279, %eq3A_283 : vector<256x2048xf32>
    %jit3A_285 = arith.constant 2.048000e+03 : f32
    %broadcast_in_dim3A_286 = vector.broadcast %jit3A_285 : f32 to vector<256x2048xf32>
    %select_n3A_287 = arith.select %eq3A_284, %convert_element_type3A, %broadcast_in_dim3A_286 : vector<256x2048xi1>, vector<256x2048xf32>
    %reduce_min3A_288 = arith.constant dense<0x7F800000> : vector<256xf32>
    %reduce_min3A_289 = vector.multi_reduction <minimumf>, %select_n3A_287, %reduce_min3A_288 [1] : vector<256x2048xf32> to vector<256xf32>
    %broadcast_in_dim3A_290 = vector.shape_cast %reduce_min3A_289 : vector<256xf32> to vector<256x1xf32>
    %eq3A_291 = vector.broadcast %broadcast_in_dim3A_290 : vector<256x1xf32> to vector<256x2048xf32>
    %eq3A_292 = arith.cmpf oeq, %convert_element_type3A, %eq3A_291 : vector<256x2048xf32>
    %jit3A_293 = arith.constant 0x7F800000 : f32
    %broadcast_in_dim3A_294 = vector.broadcast %jit3A_293 : f32 to vector<256x2048xf32>
    %select_n3A_295 = arith.select %eq3A_292, %broadcast_in_dim3A_294, %select_n3A_279 : vector<256x2048xi1>, vector<256x2048xf32>
    %reduce_min3A_296 = arith.constant dense<0x7F800000> : vector<256xf32>
    %reduce_min3A_297 = vector.multi_reduction <minimumf>, %select_n3A_295, %reduce_min3A_296 [1] : vector<256x2048xf32> to vector<256xf32>
    %broadcast_in_dim3A_298 = vector.shape_cast %reduce_min3A_297 : vector<256xf32> to vector<256x1xf32>
    %eq3A_299 = vector.broadcast %broadcast_in_dim3A_298 : vector<256x1xf32> to vector<256x2048xf32>
    %eq3A_300 = arith.cmpf oeq, %select_n3A_295, %eq3A_299 : vector<256x2048xf32>
    %jit3A_301 = arith.constant 2.048000e+03 : f32
    %broadcast_in_dim3A_302 = vector.broadcast %jit3A_301 : f32 to vector<256x2048xf32>
    %select_n3A_303 = arith.select %eq3A_300, %convert_element_type3A, %broadcast_in_dim3A_302 : vector<256x2048xi1>, vector<256x2048xf32>
    %reduce_min3A_304 = arith.constant dense<0x7F800000> : vector<256xf32>
    %reduce_min3A_305 = vector.multi_reduction <minimumf>, %select_n3A_303, %reduce_min3A_304 [1] : vector<256x2048xf32> to vector<256xf32>
    %broadcast_in_dim3A_306 = vector.shape_cast %reduce_min3A_305 : vector<256xf32> to vector<256x1xf32>
    %eq3A_307 = vector.broadcast %broadcast_in_dim3A_306 : vector<256x1xf32> to vector<256x2048xf32>
    %eq3A_308 = arith.cmpf oeq, %convert_element_type3A, %eq3A_307 : vector<256x2048xf32>
    %jit3A_309 = arith.constant 0x7F800000 : f32
    %broadcast_in_dim3A_310 = vector.broadcast %jit3A_309 : f32 to vector<256x2048xf32>
    %select_n3A_311 = arith.select %eq3A_308, %broadcast_in_dim3A_310, %select_n3A_295 : vector<256x2048xi1>, vector<256x2048xf32>
    %reduce_min3A_312 = arith.constant dense<0x7F800000> : vector<256xf32>
    %reduce_min3A_313 = vector.multi_reduction <minimumf>, %select_n3A_311, %reduce_min3A_312 [1] : vector<256x2048xf32> to vector<256xf32>
    %broadcast_in_dim3A_314 = vector.shape_cast %reduce_min3A_313 : vector<256xf32> to vector<256x1xf32>
    %eq3A_315 = vector.broadcast %broadcast_in_dim3A_314 : vector<256x1xf32> to vector<256x2048xf32>
    %eq3A_316 = arith.cmpf oeq, %select_n3A_311, %eq3A_315 : vector<256x2048xf32>
    %jit3A_317 = arith.constant 2.048000e+03 : f32
    %broadcast_in_dim3A_318 = vector.broadcast %jit3A_317 : f32 to vector<256x2048xf32>
    %select_n3A_319 = arith.select %eq3A_316, %convert_element_type3A, %broadcast_in_dim3A_318 : vector<256x2048xi1>, vector<256x2048xf32>
    %reduce_min3A_320 = arith.constant dense<0x7F800000> : vector<256xf32>
    %reduce_min3A_321 = vector.multi_reduction <minimumf>, %select_n3A_319, %reduce_min3A_320 [1] : vector<256x2048xf32> to vector<256xf32>
    %broadcast_in_dim3A_322 = vector.shape_cast %reduce_min3A_321 : vector<256xf32> to vector<256x1xf32>
    %eq3A_323 = vector.broadcast %broadcast_in_dim3A_82 : vector<256x1xf32> to vector<256x2048xf32>
    %eq3A_324 = arith.cmpf oeq, %convert_element_type3A, %eq3A_323 : vector<256x2048xf32>
    %convert_element_type3A_325 = arith.extui %eq3A_324 : vector<256x2048xi1> to vector<256x2048xi32>
    %convert_element_type3A_326 = arith.sitofp %convert_element_type3A_325 : vector<256x2048xi32> to vector<256x2048xf32>
    %dot_general3A_327 = arith.constant dense<0.000000e+00> : vector<256x64xf32>
    %dot_general3A_328 = tpu.matmul %convert_element_type3A_326, %get3A_23, %dot_general3A_327 {dimension_numbers = #tpu.dot_dimension_numbers<[1], [0], [0], [1], [0, 0, 1, 1], [], []>, transpose_lhs_hint = false} : vector<256x2048xf32>, vector<2048x64xf32>, vector<256x64xf32> -> vector<256x64xf32>
    %sub3A_329 = arith.subf %dot_general3A_328, %get3A_28 : vector<256x64xf32>
    %eq3A_330 = vector.broadcast %broadcast_in_dim3A_98 : vector<256x1xf32> to vector<256x2048xf32>
    %eq3A_331 = arith.cmpf oeq, %convert_element_type3A, %eq3A_330 : vector<256x2048xf32>
    %convert_element_type3A_332 = arith.extui %eq3A_331 : vector<256x2048xi1> to vector<256x2048xi32>
    %convert_element_type3A_333 = arith.sitofp %convert_element_type3A_332 : vector<256x2048xi32> to vector<256x2048xf32>
    %dot_general3A_334 = arith.constant dense<0.000000e+00> : vector<256x64xf32>
    %dot_general3A_335 = tpu.matmul %convert_element_type3A_333, %get3A_23, %dot_general3A_334 {dimension_numbers = #tpu.dot_dimension_numbers<[1], [0], [0], [1], [0, 0, 1, 1], [], []>, transpose_lhs_hint = false} : vector<256x2048xf32>, vector<2048x64xf32>, vector<256x64xf32> -> vector<256x64xf32>
    %sub3A_336 = arith.subf %dot_general3A_335, %get3A_28 : vector<256x64xf32>
    %eq3A_337 = vector.broadcast %broadcast_in_dim3A_114 : vector<256x1xf32> to vector<256x2048xf32>
    %eq3A_338 = arith.cmpf oeq, %convert_element_type3A, %eq3A_337 : vector<256x2048xf32>
    %convert_element_type3A_339 = arith.extui %eq3A_338 : vector<256x2048xi1> to vector<256x2048xi32>
    %convert_element_type3A_340 = arith.sitofp %convert_element_type3A_339 : vector<256x2048xi32> to vector<256x2048xf32>
    %dot_general3A_341 = arith.constant dense<0.000000e+00> : vector<256x64xf32>
    %dot_general3A_342 = tpu.matmul %convert_element_type3A_340, %get3A_23, %dot_general3A_341 {dimension_numbers = #tpu.dot_dimension_numbers<[1], [0], [0], [1], [0, 0, 1, 1], [], []>, transpose_lhs_hint = false} : vector<256x2048xf32>, vector<2048x64xf32>, vector<256x64xf32> -> vector<256x64xf32>
    %sub3A_343 = arith.subf %dot_general3A_342, %get3A_28 : vector<256x64xf32>
    %eq3A_344 = vector.broadcast %broadcast_in_dim3A_130 : vector<256x1xf32> to vector<256x2048xf32>
    %eq3A_345 = arith.cmpf oeq, %convert_element_type3A, %eq3A_344 : vector<256x2048xf32>
    %convert_element_type3A_346 = arith.extui %eq3A_345 : vector<256x2048xi1> to vector<256x2048xi32>
    %convert_element_type3A_347 = arith.sitofp %convert_element_type3A_346 : vector<256x2048xi32> to vector<256x2048xf32>
    %dot_general3A_348 = arith.constant dense<0.000000e+00> : vector<256x64xf32>
    %dot_general3A_349 = tpu.matmul %convert_element_type3A_347, %get3A_23, %dot_general3A_348 {dimension_numbers = #tpu.dot_dimension_numbers<[1], [0], [0], [1], [0, 0, 1, 1], [], []>, transpose_lhs_hint = false} : vector<256x2048xf32>, vector<2048x64xf32>, vector<256x64xf32> -> vector<256x64xf32>
    %sub3A_350 = arith.subf %dot_general3A_349, %get3A_28 : vector<256x64xf32>
    %eq3A_351 = vector.broadcast %broadcast_in_dim3A_146 : vector<256x1xf32> to vector<256x2048xf32>
    %eq3A_352 = arith.cmpf oeq, %convert_element_type3A, %eq3A_351 : vector<256x2048xf32>
    %convert_element_type3A_353 = arith.extui %eq3A_352 : vector<256x2048xi1> to vector<256x2048xi32>
    %convert_element_type3A_354 = arith.sitofp %convert_element_type3A_353 : vector<256x2048xi32> to vector<256x2048xf32>
    %dot_general3A_355 = arith.constant dense<0.000000e+00> : vector<256x64xf32>
    %dot_general3A_356 = tpu.matmul %convert_element_type3A_354, %get3A_23, %dot_general3A_355 {dimension_numbers = #tpu.dot_dimension_numbers<[1], [0], [0], [1], [0, 0, 1, 1], [], []>, transpose_lhs_hint = false} : vector<256x2048xf32>, vector<2048x64xf32>, vector<256x64xf32> -> vector<256x64xf32>
    %sub3A_357 = arith.subf %dot_general3A_356, %get3A_28 : vector<256x64xf32>
    %eq3A_358 = vector.broadcast %broadcast_in_dim3A_162 : vector<256x1xf32> to vector<256x2048xf32>
    %eq3A_359 = arith.cmpf oeq, %convert_element_type3A, %eq3A_358 : vector<256x2048xf32>
    %convert_element_type3A_360 = arith.extui %eq3A_359 : vector<256x2048xi1> to vector<256x2048xi32>
    %convert_element_type3A_361 = arith.sitofp %convert_element_type3A_360 : vector<256x2048xi32> to vector<256x2048xf32>
    %dot_general3A_362 = arith.constant dense<0.000000e+00> : vector<256x64xf32>
    %dot_general3A_363 = tpu.matmul %convert_element_type3A_361, %get3A_23, %dot_general3A_362 {dimension_numbers = #tpu.dot_dimension_numbers<[1], [0], [0], [1], [0, 0, 1, 1], [], []>, transpose_lhs_hint = false} : vector<256x2048xf32>, vector<2048x64xf32>, vector<256x64xf32> -> vector<256x64xf32>
    %sub3A_364 = arith.subf %dot_general3A_363, %get3A_28 : vector<256x64xf32>
    %eq3A_365 = vector.broadcast %broadcast_in_dim3A_178 : vector<256x1xf32> to vector<256x2048xf32>
    %eq3A_366 = arith.cmpf oeq, %convert_element_type3A, %eq3A_365 : vector<256x2048xf32>
    %convert_element_type3A_367 = arith.extui %eq3A_366 : vector<256x2048xi1> to vector<256x2048xi32>
    %convert_element_type3A_368 = arith.sitofp %convert_element_type3A_367 : vector<256x2048xi32> to vector<256x2048xf32>
    %dot_general3A_369 = arith.constant dense<0.000000e+00> : vector<256x64xf32>
    %dot_general3A_370 = tpu.matmul %convert_element_type3A_368, %get3A_23, %dot_general3A_369 {dimension_numbers = #tpu.dot_dimension_numbers<[1], [0], [0], [1], [0, 0, 1, 1], [], []>, transpose_lhs_hint = false} : vector<256x2048xf32>, vector<2048x64xf32>, vector<256x64xf32> -> vector<256x64xf32>
    %sub3A_371 = arith.subf %dot_general3A_370, %get3A_28 : vector<256x64xf32>
    %eq3A_372 = vector.broadcast %broadcast_in_dim3A_194 : vector<256x1xf32> to vector<256x2048xf32>
    %eq3A_373 = arith.cmpf oeq, %convert_element_type3A, %eq3A_372 : vector<256x2048xf32>
    %convert_element_type3A_374 = arith.extui %eq3A_373 : vector<256x2048xi1> to vector<256x2048xi32>
    %convert_element_type3A_375 = arith.sitofp %convert_element_type3A_374 : vector<256x2048xi32> to vector<256x2048xf32>
    %dot_general3A_376 = arith.constant dense<0.000000e+00> : vector<256x64xf32>
    %dot_general3A_377 = tpu.matmul %convert_element_type3A_375, %get3A_23, %dot_general3A_376 {dimension_numbers = #tpu.dot_dimension_numbers<[1], [0], [0], [1], [0, 0, 1, 1], [], []>, transpose_lhs_hint = false} : vector<256x2048xf32>, vector<2048x64xf32>, vector<256x64xf32> -> vector<256x64xf32>
    %sub3A_378 = arith.subf %dot_general3A_377, %get3A_28 : vector<256x64xf32>
    %eq3A_379 = vector.broadcast %broadcast_in_dim3A_210 : vector<256x1xf32> to vector<256x2048xf32>
    %eq3A_380 = arith.cmpf oeq, %convert_element_type3A, %eq3A_379 : vector<256x2048xf32>
    %convert_element_type3A_381 = arith.extui %eq3A_380 : vector<256x2048xi1> to vector<256x2048xi32>
    %convert_element_type3A_382 = arith.sitofp %convert_element_type3A_381 : vector<256x2048xi32> to vector<256x2048xf32>
    %dot_general3A_383 = arith.constant dense<0.000000e+00> : vector<256x64xf32>
    %dot_general3A_384 = tpu.matmul %convert_element_type3A_382, %get3A_23, %dot_general3A_383 {dimension_numbers = #tpu.dot_dimension_numbers<[1], [0], [0], [1], [0, 0, 1, 1], [], []>, transpose_lhs_hint = false} : vector<256x2048xf32>, vector<2048x64xf32>, vector<256x64xf32> -> vector<256x64xf32>
    %sub3A_385 = arith.subf %dot_general3A_384, %get3A_28 : vector<256x64xf32>
    %eq3A_386 = vector.broadcast %broadcast_in_dim3A_226 : vector<256x1xf32> to vector<256x2048xf32>
    %eq3A_387 = arith.cmpf oeq, %convert_element_type3A, %eq3A_386 : vector<256x2048xf32>
    %convert_element_type3A_388 = arith.extui %eq3A_387 : vector<256x2048xi1> to vector<256x2048xi32>
    %convert_element_type3A_389 = arith.sitofp %convert_element_type3A_388 : vector<256x2048xi32> to vector<256x2048xf32>
    %dot_general3A_390 = arith.constant dense<0.000000e+00> : vector<256x64xf32>
    %dot_general3A_391 = tpu.matmul %convert_element_type3A_389, %get3A_23, %dot_general3A_390 {dimension_numbers = #tpu.dot_dimension_numbers<[1], [0], [0], [1], [0, 0, 1, 1], [], []>, transpose_lhs_hint = false} : vector<256x2048xf32>, vector<2048x64xf32>, vector<256x64xf32> -> vector<256x64xf32>
    %sub3A_392 = arith.subf %dot_general3A_391, %get3A_28 : vector<256x64xf32>
    %eq3A_393 = vector.broadcast %broadcast_in_dim3A_242 : vector<256x1xf32> to vector<256x2048xf32>
    %eq3A_394 = arith.cmpf oeq, %convert_element_type3A, %eq3A_393 : vector<256x2048xf32>
    %convert_element_type3A_395 = arith.extui %eq3A_394 : vector<256x2048xi1> to vector<256x2048xi32>
    %convert_element_type3A_396 = arith.sitofp %convert_element_type3A_395 : vector<256x2048xi32> to vector<256x2048xf32>
    %dot_general3A_397 = arith.constant dense<0.000000e+00> : vector<256x64xf32>
    %dot_general3A_398 = tpu.matmul %convert_element_type3A_396, %get3A_23, %dot_general3A_397 {dimension_numbers = #tpu.dot_dimension_numbers<[1], [0], [0], [1], [0, 0, 1, 1], [], []>, transpose_lhs_hint = false} : vector<256x2048xf32>, vector<2048x64xf32>, vector<256x64xf32> -> vector<256x64xf32>
    %sub3A_399 = arith.subf %dot_general3A_398, %get3A_28 : vector<256x64xf32>
    %eq3A_400 = vector.broadcast %broadcast_in_dim3A_258 : vector<256x1xf32> to vector<256x2048xf32>
    %eq3A_401 = arith.cmpf oeq, %convert_element_type3A, %eq3A_400 : vector<256x2048xf32>
    %convert_element_type3A_402 = arith.extui %eq3A_401 : vector<256x2048xi1> to vector<256x2048xi32>
    %convert_element_type3A_403 = arith.sitofp %convert_element_type3A_402 : vector<256x2048xi32> to vector<256x2048xf32>
    %dot_general3A_404 = arith.constant dense<0.000000e+00> : vector<256x64xf32>
    %dot_general3A_405 = tpu.matmul %convert_element_type3A_403, %get3A_23, %dot_general3A_404 {dimension_numbers = #tpu.dot_dimension_numbers<[1], [0], [0], [1], [0, 0, 1, 1], [], []>, transpose_lhs_hint = false} : vector<256x2048xf32>, vector<2048x64xf32>, vector<256x64xf32> -> vector<256x64xf32>
    %sub3A_406 = arith.subf %dot_general3A_405, %get3A_28 : vector<256x64xf32>
    %eq3A_407 = vector.broadcast %broadcast_in_dim3A_274 : vector<256x1xf32> to vector<256x2048xf32>
    %eq3A_408 = arith.cmpf oeq, %convert_element_type3A, %eq3A_407 : vector<256x2048xf32>
    %convert_element_type3A_409 = arith.extui %eq3A_408 : vector<256x2048xi1> to vector<256x2048xi32>
    %convert_element_type3A_410 = arith.sitofp %convert_element_type3A_409 : vector<256x2048xi32> to vector<256x2048xf32>
    %dot_general3A_411 = arith.constant dense<0.000000e+00> : vector<256x64xf32>
    %dot_general3A_412 = tpu.matmul %convert_element_type3A_410, %get3A_23, %dot_general3A_411 {dimension_numbers = #tpu.dot_dimension_numbers<[1], [0], [0], [1], [0, 0, 1, 1], [], []>, transpose_lhs_hint = false} : vector<256x2048xf32>, vector<2048x64xf32>, vector<256x64xf32> -> vector<256x64xf32>
    %sub3A_413 = arith.subf %dot_general3A_412, %get3A_28 : vector<256x64xf32>
    %eq3A_414 = vector.broadcast %broadcast_in_dim3A_290 : vector<256x1xf32> to vector<256x2048xf32>
    %eq3A_415 = arith.cmpf oeq, %convert_element_type3A, %eq3A_414 : vector<256x2048xf32>
    %convert_element_type3A_416 = arith.extui %eq3A_415 : vector<256x2048xi1> to vector<256x2048xi32>
    %convert_element_type3A_417 = arith.sitofp %convert_element_type3A_416 : vector<256x2048xi32> to vector<256x2048xf32>
    %dot_general3A_418 = arith.constant dense<0.000000e+00> : vector<256x64xf32>
    %dot_general3A_419 = tpu.matmul %convert_element_type3A_417, %get3A_23, %dot_general3A_418 {dimension_numbers = #tpu.dot_dimension_numbers<[1], [0], [0], [1], [0, 0, 1, 1], [], []>, transpose_lhs_hint = false} : vector<256x2048xf32>, vector<2048x64xf32>, vector<256x64xf32> -> vector<256x64xf32>
    %sub3A_420 = arith.subf %dot_general3A_419, %get3A_28 : vector<256x64xf32>
    %eq3A_421 = vector.broadcast %broadcast_in_dim3A_306 : vector<256x1xf32> to vector<256x2048xf32>
    %eq3A_422 = arith.cmpf oeq, %convert_element_type3A, %eq3A_421 : vector<256x2048xf32>
    %convert_element_type3A_423 = arith.extui %eq3A_422 : vector<256x2048xi1> to vector<256x2048xi32>
    %convert_element_type3A_424 = arith.sitofp %convert_element_type3A_423 : vector<256x2048xi32> to vector<256x2048xf32>
    %dot_general3A_425 = arith.constant dense<0.000000e+00> : vector<256x64xf32>
    %dot_general3A_426 = tpu.matmul %convert_element_type3A_424, %get3A_23, %dot_general3A_425 {dimension_numbers = #tpu.dot_dimension_numbers<[1], [0], [0], [1], [0, 0, 1, 1], [], []>, transpose_lhs_hint = false} : vector<256x2048xf32>, vector<2048x64xf32>, vector<256x64xf32> -> vector<256x64xf32>
    %sub3A_427 = arith.subf %dot_general3A_426, %get3A_28 : vector<256x64xf32>
    %eq3A_428 = vector.broadcast %broadcast_in_dim3A_322 : vector<256x1xf32> to vector<256x2048xf32>
    %eq3A_429 = arith.cmpf oeq, %convert_element_type3A, %eq3A_428 : vector<256x2048xf32>
    %convert_element_type3A_430 = arith.extui %eq3A_429 : vector<256x2048xi1> to vector<256x2048xi32>
    %convert_element_type3A_431 = arith.sitofp %convert_element_type3A_430 : vector<256x2048xi32> to vector<256x2048xf32>
    %dot_general3A_432 = arith.constant dense<0.000000e+00> : vector<256x64xf32>
    %dot_general3A_433 = tpu.matmul %convert_element_type3A_431, %get3A_23, %dot_general3A_432 {dimension_numbers = #tpu.dot_dimension_numbers<[1], [0], [0], [1], [0, 0, 1, 1], [], []>, transpose_lhs_hint = false} : vector<256x2048xf32>, vector<2048x64xf32>, vector<256x64xf32> -> vector<256x64xf32>
    %sub3A_434 = arith.subf %dot_general3A_433, %get3A_28 : vector<256x64xf32>
    %concatenate3A = tpu.concatenate %get3A_28, %sub3A_329, %get3A_28, %sub3A_336, %get3A_28, %sub3A_343, %get3A_28, %sub3A_350, %get3A_28, %sub3A_357, %get3A_28, %sub3A_364, %get3A_28, %sub3A_371, %get3A_28, %sub3A_378, %get3A_28, %sub3A_385, %get3A_28, %sub3A_392, %get3A_28, %sub3A_399, %get3A_28, %sub3A_406, %get3A_28, %sub3A_413, %get3A_28, %sub3A_420, %get3A_28, %sub3A_427, %get3A_28, %sub3A_434 in 1 : vector<256x64xf32>, vector<256x64xf32>, vector<256x64xf32>, vector<256x64xf32>, vector<256x64xf32>, vector<256x64xf32>, vector<256x64xf32>, vector<256x64xf32>, vector<256x64xf32>, vector<256x64xf32>, vector<256x64xf32>, vector<256x64xf32>, vector<256x64xf32>, vector<256x64xf32>, vector<256x64xf32>, vector<256x64xf32>, vector<256x64xf32>, vector<256x64xf32>, vector<256x64xf32>, vector<256x64xf32>, vector<256x64xf32>, vector<256x64xf32>, vector<256x64xf32>, vector<256x64xf32>, vector<256x64xf32>, vector<256x64xf32>, vector<256x64xf32>, vector<256x64xf32>, vector<256x64xf32>, vector<256x64xf32>, vector<256x64xf32>, vector<256x64xf32> -> vector<256x2048xf32>
    %swap3A = arith.constant 0 : index
    %swap3A_435 = arith.constant 0 : index
    %swap3A_436 = arith.constant 0 : index
    %swap3A_437 = vector.load %arg8[%swap3A, %swap3A_435, %swap3A_436] : memref<1x256x2048xf32, #tpu.memory_space<vmem>>, vector<1x256x2048xf32>
    %swap3A_438 = vector.shape_cast %swap3A_437 : vector<1x256x2048xf32> to vector<256x2048xf32>
    %swap3A_439 = vector.shape_cast %concatenate3A : vector<256x2048xf32> to vector<1x256x2048xf32>
    tpu.vector_store %arg8[%swap3A, %swap3A_435, %swap3A_436], %swap3A_439 {strides = array<i32>} : memref<1x256x2048xf32, #tpu.memory_space<vmem>>, vector<1x256x2048xf32>,
    return
  }
  func.func @transform_0(%arg0: i32, %arg1: i32) -> (i32, i32, i32) {
    %c0_i32 = arith.constant 0 : i32
    %c0_i32_0 = arith.constant 0 : i32
    return %arg0, %arg1, %c0_i32 : i32, i32, i32
  }
  func.func @transform_1(%arg0: i32, %arg1: i32) -> (i32, i32, i32) {
    %c0_i32 = arith.constant 0 : i32
    %c0_i32_0 = arith.constant 0 : i32
    %c0_i32_1 = arith.constant 0 : i32
    return %arg0, %c0_i32, %c0_i32_0 : i32, i32, i32
  }
  func.func @transform_2(%arg0: i32, %arg1: i32) -> (i32, i32, i32) {
    %c0_i32 = arith.constant 0 : i32
    %c0_i32_0 = arith.constant 0 : i32
    return %arg0, %arg1, %c0_i32 : i32, i32, i32
  }
  func.func @transform_3(%arg0: i32, %arg1: i32) -> (i32, i32, i32) {
    %c0_i32 = arith.constant 0 : i32
    %c0_i32_0 = arith.constant 0 : i32
    %c0_i32_1 = arith.constant 0 : i32
    return %arg0, %c0_i32, %c0_i32_0 : i32, i32, i32
  }
  func.func @transform_4(%arg0: i32, %arg1: i32) -> (i32, i32, i32) {
    %c0_i32 = arith.constant 0 : i32
    %c0_i32_0 = arith.constant 0 : i32
    %c0_i32_1 = arith.constant 0 : i32
    return %arg0, %c0_i32, %c0_i32_0 : i32, i32, i32
  }
  func.func @transform_5(%arg0: i32, %arg1: i32) -> (i32, i32, i32) {
    %c0_i32 = arith.constant 0 : i32
    %c0_i32_0 = arith.constant 0 : i32
    return %arg0, %arg1, %c0_i32 : i32, i32, i32
  }
  func.func @transform_6(%arg0: i32, %arg1: i32) -> (i32, i32, i32) {
    %c0_i32 = arith.constant 0 : i32
    %c0_i32_0 = arith.constant 0 : i32
    return %arg0, %arg1, %c0_i32 : i32, i32, i32
  }
}

</mosaic_0001>

<sc_bundles>
// kernel: sparse-core-data-format-call.cloned.1.call-start
scs
called_computation_lowered:
.L_overlay_start_0:
0x0: {  	s2 =	sld [smem:$0x3FD9]  }
0x1: {  	s3 =	sld [smem:$0x3FFE];
	_ =	sdelay $0x1  }
0x2: {  	s1 =	srdreg.scid  }
0x3: {  	s0 =	sand.u32 $0x1, s1  }
0x4: {  	s18 =	sshll.u32 s0, $0xA;
	s2 =	sadd.s32 s3, s2  }
0x5: {  	s2 =	sadd.s32 s2, s18  }
0x6: {  	[smem:$0x3FC6] =	sst s2  }
0x7: {  	_ = 	snop  }
0x8: {  	s2 =	sld [smem:$0x3FD0];
	(tm) =	ssettm $0x1  }
0x9: {  	s19 =	sld [smem:$0x3FFB];
	_ =	sdelay $0x3  }
0xa: {  	_ =	strace s19  }
0xb: {  	s3 =	sld [smem:$0x3FFC];
	_ =	sdelay $0x3  }
0xc: {  	_ =	strace s3  }
0xd: {  	s3 =	sld [smem:$0x3FFD];
	_ =	sdelay $0x3  }
0xe: {  	_ =	strace s3  }
0xf: {  	_ =	strace $0x8FFFFFFF  }
0x10: {  	s20 =	sld [smem:$0x3FDB];
	_ =	sdelay $0x1  }
0x11: {  	s4 =	simm.s32 $_scs_section_size  }
0x12: {  	s5 =	simm.s32 $_size__tile_overlayer_lowered;
	s6 =	simm.s32 $_tile_overlayer_lowered  }
0x13: {  	s23 =	simm.s32 $0x1BFF;
	s22 =	sshll.u32 s6, $0x1;
	s3 =	sadd.s32 s4, s20  }
0x14: {  	s7 =	simm.s32 $0x0;
	s21 =	sshll.u32 s5, $0x1;
	s5 =	sadd.s32 s22, s3  }
0x15: {  	[timem:s7], [sflag:s23] =	dma.local [hbm:s5], s21  }
0x16: {  	_ =	swait.ge [sflag:s23], s21  }
0x17: {  	s4 =	ssub.s32 $0x0, s21;
	[sflag:s23] =	ssyncset.done $0x0  }
0x18: {  	[sflag:s23] =	ssyncadd.s32 s4;
	_ =	sdelay $0x1  }
0x19: {  	s24 =	simm.s32 $0x1B8B  }
0x1a: {  	_ =	swait.ge [sflag:s24], $0x1  }
0x1b: {  	[sflag:s24] =	ssyncset.done $0x0  }
0x1c: {  	s26 =	simm.s32 $0x1B8E;
	s25 =	sld [smem:$0x3FFE];
	[sflag:s24] =	ssyncadd.s32 $0xFFFFFFFF  }
0x1d: {  	s27 =	simm.s32 $execute0_lowered;
	[smem:$0x3FD2] =	sst s26  }
0x1e: {  	s5 =	sshll.u32 s27, $0x1;
	_ =	strace $0x80000046;
	[dreg:$0x1] =	wrdreg $0xFFFFFFFF  }
0x1f: {  	s28 =	simm.s32 $_size_execute0_lowered;
	s3 =	sadd.s32 s3, s5;
	[dreg:$0x0] =	wrdreg $0x0  }
0x20: {  	s5 =	sshll.u32 s28, $0x1;
	[dreg:$0x2] =	wrdreg s3  }
0x21: {  	[dreg:$0x3] =	wrdreg s5  }
0x22: {  	[dreg:$0x4] =	wrdreg $0xC0  }
0x23: {  	_ =	task [dreg:s7], $0x5FFFF  }
0x24: {  	[dreg:$0x1] =	wrdreg $0xFFFFFFFF  }
0x25: {  	[dreg:$0x0] =	wrdreg $0x60  }
0x26: {  	[dreg:$0x2] =	wrdreg s25  }
0x27: {  	[dreg:$0x3] =	wrdreg s2  }
0x28: {  	[dreg:$0x4] =	wrdreg $0x9  }
0x29: {  	_ =	task.clear_ibuf [dreg:s7], $0x5FFFF;
	_ =	strace $0x90000046  }
0x2a: {  	s29 =	simm.s32 $0x9;
	_ =	strace $0x80000048  }
0x2b: {  	_ =	swait.ge [sflag:s29], $0x1  }
0x2c: {  	[sflag:s29] =	ssyncadd.s32 $0xFFFFFFFF  }
0x2d: {  	_ =	strace $0x90000048  }
0x2e: {  	_ =	sfence  }
0x2f: {  	s30 =	sld [smem:$0x0];
	_ =	sdelay $0x2  }
0x30: {  	s31 =	sshll.u32 s1, $0xD;
	s1 =	sshrl.u32 s1, $0x2  }
0x31: {  	s3 =	sand.u32 $0x4000, s31;
	s1 =	sadd.s32 s1, s30  }
0x32: {  	s0 =	sor.u32 s3, s0;
	s1 =	sshll.u32 s1, $0x11  }
0x33: {  	s0 =	sor.u32 s1, s0  }
0x34: {  	s0 =	sadd.s32 $0x8F2B, s0  }
0x35: {  	[sflag:s0] =	ssyncadd.remote.s32 $0x1  }
0x36: {  	_ =	sfence.sel $0xFFFF  }
0x37: {  	[dreg:$0x0] =	wrdreg $0xFFFFFFFF;
	(pc) =	sbr.abs _section_cstart, $3  }
0x38: {  	[dreg:$0x1] =	wrdreg $0xFFFFFFFF  }
0x39: {  	_ =	task.clear_ibuf [dreg:s7], $0x2FFFF;
	_ =	strace $0x9FFFFFFF  }
0x3a: {  	(tm) =	ssettm $0x7FFFFFFF  }
0x3b: {  	_ =	shalt  }
tec
execute0_lowered:
.L_overlay_start_1:
0x0: {  	(tag) =	ssettag $0x1  }
0x1: {  	s1 =	rddreg [dreg:$0x0]  }
0x2: {  	s2 =	rddreg [dreg:$0x1]  }
0x3: {  	s0 =	rddreg [dreg:$0x2];
	_ =	strace $0x80000047;
	s4 =	srdreg.scid  }
.Ltmp0:
0x4: {  	s6 =	simm.s32 $0x2;
	p0 =	por $0x0, $0x0;
	(pc) =	sbr.rel .LBB1_1-.Ltmp0, $4  }
0x5: {  	s9 =	simm.s32 $0x0;
	s3 =	sadd.s32 $0x200, s1;
	s5 =	sshll.u32 s4, $0x4  }
0x6: {  	s1 =	stileid.u32;
	s4 =	simm.s32 $0x1;
	s5 =	sand.u32 $0x10, s5  }
0x7: {  	s7 =	simm.s32 $0x0;
	[sflag:s4] =	ssyncpa.u1 $0x0;
	s5 =	sor.u32 s1, s5  }
0x8: {  	[sflag:s6] =	ssyncpa.u1 $0x0;
	s6 =	simm.s32 $0x0;
	s8 =	smov.u32 s5  }
.LBB1_7:
0x9: {  	s11 =	sadd.s32 $0x20, s8  }
0xa: {  	p1 =	slt.u32 s7, $0x2;
	s7 =	sadd.s32 $0x1, s7;
	p2 =	sgt.s32 s11, $0x7FF  }
0xb: {  	s11 =	smov.u32 @p2 s5;
	p2 =	sne.s32 s7, $0x42  }
.Ltmp1:
0xc: {  	_ = 	snop;
	(pc) =	sbr.rel @!p2 .LBB1_8-.Ltmp1, $4  }
0xd: {  	s10 =	simm.s32 @!p1 $0x2  }
0xe: {  	_ =	swait.ge @!p1 [sflag:s10], $0x4000  }
0xf: {  	s9 =	smov.u32 s8;
	[sflag:s10] =	ssyncset.done @!p1 $0x0  }
0x10: {  	p0 =	por !p0, !p0;
	s8 =	smov.u32 s11;
	[sflag:s10] =	ssyncadd.s32 @!p1 $0xFFFFC000  }
.LBB1_1:
0x11: {  	p1 =	sgt.u32 s7, $0x3F  }
0x12: {  	s10 =	sxor.u32 @!p1 $0xFFFFFFFF, s7  }
0x13: {  	s11 =	sshll.u32 @!p1 s8, $0xB;
	s10 =	sshll.u32 @!p1 s10, $0xE  }
0x14: {  	s12 =	simm.s32 @!p1 $0x0;
	s11 =	sadd.s32 @!p1 s3, s11;
	s10 =	sand.u32 @!p1 $0x4000, s10  }
0x15: {  	[tilespmem:s10], [sflag:$0x1] =	stream.linear.gather @!p1 [hbm4b:s11+s12], $0x4000, $0x38;
	[tilespmem:$0x10000] =	vst v63  }
0x16: {  	p1 =	seq.s32 s7, $0x0  }
0x17: {  	p2 =	seq.s32 @!p1 s7, $0x41  }
0x18: {  	p1 =	por p1, p2  }
.Ltmp2:
0x19: {  	_ = 	snop;
	(pc) =	sbr.rel @p1 .LBB1_7-.Ltmp2, $1  }
0x1a: {  	_ =	sdelay $0x3  }
0x1b: {  	s10 =	simm.s32 $0x1;
	_ =	swait.ge [sflag:s4], $0x4000;
	s12 =	sshll.u32 s7, $0xE  }
0x1c: {  	s13 =	simm.s32 $0x0;
	s10 =	simm.s32 @!p0 $0x0;
	[sflag:s4] =	ssyncset.done $0x0  }
0x1d: {  	s12 =	sand.u32 $0x4000, s12;
	s11 =	sshll.u32 s10, $0xE;
	[sflag:s4] =	ssyncadd.s32 $0xFFFFC000  }
0x1e: {  	s12 =	sor.u32 $0x8000, s12;
	s10 =	sor.u32 $0x8040, s11;
	s11 =	sor.u32 $0x40, s11  }
.LBB1_3:
0x1f: {  	v0 =	vmov s11;
	_ =	sdelay $0x3  }
0x20: {  	s15 =	simm.s32 $0x0  }
0x21: {  	v6 =	vld.idx.msk [tilespmem:v0+s15+$0x30 ss:$0x1], $0xffff  }
0x22: {  	v7 =	vld.idx.msk [tilespmem:v0+s15+$0xFFFFFFC0 ss:$0x1], $0xffff  }
0x23: {  	v5 =	vld.idx.msk [tilespmem:v0+s15+$0xFFFFFFD0 ss:$0x1], $0xffff  }
0x24: {  	v4 =	vld.idx.msk [tilespmem:v0+s15+$0xFFFFFFE0 ss:$0x1], $0xffff  }
0x25: {  	v3 =	vld.idx.msk [tilespmem:v0+s15+$0xFFFFFFF0 ss:$0x1], $0xffff  }
0x26: {  	v1 =	vld.idx.msk [tilespmem:v0+s15+$0x0 ss:$0x1], $0xffff  }
0x27: {  	v2 =	vld.idx.msk [tilespmem:v0+s15+$0x10 ss:$0x1], $0xffff;
	[tilespmem:s10+$0x30] =	vst v6  }
0x28: {  	s14 =	simm.s32 $0x80;
	s16 =	simm.s32 $0x400;
	[tilespmem:s10+$0xFFFFFFC0] =	vst v7;
	v6 =	vld.idx.msk [tilespmem:v0+s15+$0x20 ss:$0x1], $0xffff;
	s15 =	smov.u32 s10  }
.LBB1_4:
0x29: {  	p1 =	sne.s32 s16, $0xE00;
	v7 =	vld.idx.msk [tilespmem:v0+s14+$0x30 ss:$0x1], $0xffff;
	[tilespmem:s15+$0xFFFFFFD0] =	vst v5  }
0x2a: {  	v8 =	vld.idx.msk [tilespmem:v0+s14+$0xFFFFFFC0 ss:$0x1], $0xffff;
	[tilespmem:s15+$0xFFFFFFE0] =	vst v4  }
0x2b: {  	v5 =	vld.idx.msk [tilespmem:v0+s14+$0xFFFFFFD0 ss:$0x1], $0xffff;
	[tilespmem:s15+$0xFFFFFFF0] =	vst v3  }
.Ltmp3:
0x2c: {  	v4 =	vld.idx.msk [tilespmem:v0+s14+$0xFFFFFFE0 ss:$0x1], $0xffff;
	[tilespmem:s15+$0x0] =	vst v1;
	(pc) =	sbr.rel @p1 .LBB1_4-.Ltmp3, $4  }
0x2d: {  	v3 =	vld.idx.msk [tilespmem:v0+s14+$0xFFFFFFF0 ss:$0x1], $0xffff;
	[tilespmem:s15+$0x10] =	vst v2  }
0x2e: {  	v1 =	vld.idx.msk [tilespmem:v0+s14+$0x0 ss:$0x1], $0xffff;
	[tilespmem:s15+$0x20] =	vst v6;
	s15 =	sadd.s32 $0x800, s15  }
0x2f: {  	v2 =	vld.idx.msk [tilespmem:v0+s14+$0x10 ss:$0x1], $0xffff;
	[tilespmem:s15+$0x30] =	vst v7  }
0x30: {  	[tilespmem:s15+$0xFFFFFFC0] =	vst v8;
	v6 =	vld.idx.msk [tilespmem:v0+s14+$0x20 ss:$0x1], $0xffff;
	s14 =	sshra.s32 s16, $0x2;
	s16 =	sadd.s32 $0x200, s16  }
0x31: {  	_ =	sdelay $0x2  }
0x32: {  	[tilespmem:s15+$0xFFFFFFD0] =	vst v5  }
0x33: {  	v56 =	vld.idx.msk [tilespmem:v0+s14+$0x30 ss:$0x1], $0xffff;
	[tilespmem:s15+$0xFFFFFFE0] =	vst v4  }
0x34: {  	v57 =	vld.idx.msk [tilespmem:v0+s14+$0xFFFFFFC0 ss:$0x1], $0xffff;
	[tilespmem:s15+$0xFFFFFFF0] =	vst v3  }
0x35: {  	v58 =	vld.idx.msk [tilespmem:v0+s14+$0xFFFFFFD0 ss:$0x1], $0xffff;
	[tilespmem:s15+$0x0] =	vst v1  }
0x36: {  	v59 =	vld.idx.msk [tilespmem:v0+s14+$0xFFFFFFE0 ss:$0x1], $0xffff;
	[tilespmem:s15+$0x10] =	vst v2  }
0x37: {  	v60 =	vld.idx.msk [tilespmem:v0+s14+$0xFFFFFFF0 ss:$0x1], $0xffff;
	s31 =	sadd.s32 $0x800, s15;
	[tilespmem:s15+$0x20] =	vst v6  }
0x38: {  	v61 =	vld.idx.msk [tilespmem:v0+s14+$0x0 ss:$0x1], $0xffff;
	[tilespmem:s31+$0x30] =	vst v56  }
0x39: {  	v62 =	vld.idx.msk [tilespmem:v0+s14+$0x10 ss:$0x1], $0xffff;
	s13 =	sadd.s32 $0x1, s13;
	[tilespmem:s31+$0xFFFFFFC0] =	vst v57  }
0x3a: {  	v63 =	vld.idx.msk [tilespmem:v0+s14+$0x20 ss:$0x1], $0xffff;
	p1 =	sne.s32 s13, $0x10;
	[tilespmem:s31+$0xFFFFFFD0] =	vst v58  }
.Ltmp4:
0x3b: {  	[tilespmem:s31+$0xFFFFFFE0] =	vst v59;
	(pc) =	sbr.rel @p1 .LBB1_3-.Ltmp4, $4  }
0x3c: {  	[tilespmem:s31+$0xFFFFFFF0] =	vst v60  }
0x3d: {  	[tilespmem:s31+$0x0] =	vst v61  }
0x3e: {  	[tilespmem:s31+$0x10] =	vst v62  }
0x3f: {  	s10 =	sadd.s32 $0x80, s10;
	s11 =	sadd.s32 $0x400, s11;
	[tilespmem:s31+$0x20] =	vst v63  }
.Ltmp5:
0x40: {  	(pc) =	sbr.rel .LBB1_7-.Ltmp5, $4  }
0x41: {  	_ = 	snop  }
0x42: {  	s9 =	sshll.u32 s9, $0xB  }
0x43: {  	s9 =	sadd.s32 s2, s9  }
0x44: {  	[hbm4b:s9+s6] =	stream.linear.scatter [tilespmem:s12], [sflag:$0x2], $0x4000, $0x38;
	[tilespmem:$0x10000] =	vst v63  }
.LBB1_8:
0x45: {  	_ =	sfence.sel $0x180000  }
0x46: {  	s2 =	simm.s32 $0x1;
	[bflag:$0x0] =	sbarrier.arrive $0xFFFF  }
0x47: {  	s31 =	simm.s32 $0x2;
	[sflag:s2] =	ssyncpa.u1 $0x1  }
0x48: {  	[sflag:s31] =	ssyncpa.u1 $0x1  }
0x49: {  	p0 =	sne.s32 s1, $0x0;
	_ =	strace $0x90000047  }
0x4a: {  	s0 =	sadd.s32 @!p0 $0x100000, s0;
	[bflag:$0x2] =	sbarrier.arrive $0xFFFF  }
0x4b: {  	[sflag:s0] =	ssyncadd.tile.s32 @!p0 $0x1;
	_ =	shalt  }
.Lfunc_end1:
_tile_overlayer_lowered:
.L_overlay_start_2:
0x4c: {  	(tag) =	ssettag $0x2  }
0x4d: {  	s0 =	rddreg [dreg:$0x0];
	s2 =	stileid.u32  }
0x4e: {  	s1 =	rddreg [dreg:$0x1];
	p0 =	sne.s32 s2, $0x0  }
0x4f: {  	s3 =	rddreg [dreg:$0x2];
	[bflag:$0x3] =	sbarrier.arrive $0xFFFF;
	s2 =	simm.s32 @!p0 $0x1C01  }
0x50: {  	[timem:s3], [sflag:s2] =	dma.local @!p0 [hbm:s0], s1  }
0x51: {  	s0 =	simm.s32 @!p0 $0x1  }
0x52: {  	_ =	swait.ge @!p0 [sflag:s0], s1  }
0x53: {  	s1 =	ssub.s32 @!p0 $0x0, s1;
	[sflag:s0] =	ssyncset.done @!p0 $0x0  }
0x54: {  	[sflag:s0] =	ssyncadd.s32 @!p0 s1  }
0x55: {  	[bflag:$0x3] =	sbarrier.arrive $0xFFFF  }
0x56: {  	_ =	shalt  }

</sc_bundles>
